<compile_context>
chip_gen: v7x
topology: tpu7x:2x2x1
jax: 0.10.2.dev20260603
libtpu: 0.0.44.dev20260713+nightly
codegen_flags: <defaults>
</compile_context>

<pallas_src>
import functools

import jax
import jax.numpy as jnp
from jax import lax
from jax.experimental import pallas as pl
from jax.experimental.pallas import tpu as pltpu
from jax.experimental.pallas import tpu_sc as plsc

F = 26
B = 4096
L = 20
V = 100000
D = 4

NC = 2
NS = 16
NW = NC * NS

PV = 102400
BVA = 10240
ROWS = F * PV


BAGS = F * B
BAGS_PER_TILE = BAGS // NW
CHUNK_BAGS = 832
NCHUNKS = BAGS_PER_TILE // CHUNK_BAGS
CHUNK_IDX = CHUNK_BAGS * L



def _proj_tc_body(w_ref, t_ref, p_ref):
    i = pl.program_id(0)
    j = pl.program_id(1)
    acc = lax.dot_general(
        t_ref[0], w_ref[...],
        (((1,), (1,)), ((), ())),
        preferred_element_type=jnp.float32,
    )[:, 0]
    p_ref[pl.ds(i * PV + j * BVA, BVA)] = acc


def _project(tables, W):
    return pl.pallas_call(
        _proj_tc_body,
        grid=(F, PV // BVA),
        in_specs=[
            pl.BlockSpec((1, D), lambda i, j: (0, 0)),
            pl.BlockSpec((1, BVA, D), lambda i, j: (i, j, 0)),
        ],
        out_specs=pl.BlockSpec((ROWS,), lambda i, j: (0,)),
        out_shape=jax.ShapeDtypeStruct((ROWS,), jnp.float32),
    )(W, tables)



def _flatten_idx(indices):
    offs = (jnp.arange(F, dtype=jnp.int32) * PV)[:, None, None]
    return (indices + offs).reshape(F * B * L)



def _lookup_body(idx_hbm, p_hbm, wb_hbm, out_hbm, cidx_v, vals_v, wb_v, out_v, sem):
    wid = lax.axis_index("s") * NC + lax.axis_index("c")

    pltpu.sync_copy(wb_hbm, wb_v)
    bias = wb_v[0]
    iota16 = lax.iota(jnp.int32, 16)

    def chunk_body(c, carry):
        gbag0 = wid * BAGS_PER_TILE + c * CHUNK_BAGS
        goff = gbag0 * L

        pltpu.sync_copy(idx_hbm.at[pl.ds(goff, CHUNK_IDX)], cidx_v)
        pltpu.async_copy(p_hbm.at[cidx_v], vals_v, sem).wait()

        def pool(g, cr):
            pv = (iota16 + g * 16) * L
            acc = plsc.load_gather(vals_v, [pv])
            for l in range(1, L):
                acc = acc + plsc.load_gather(vals_v, [pv + l])
            out_v[pl.ds(g * 16, 16)] = acc + bias
            return cr

        lax.fori_loop(0, CHUNK_BAGS // 16, pool, 0)

        pltpu.sync_copy(out_v, out_hbm.at[pl.ds(gbag0, CHUNK_BAGS)])
        return carry

    lax.fori_loop(0, NCHUNKS, chunk_body, 0)


_MESH = plsc.VectorSubcoreMesh(
    core_axis_name="c", subcore_axis_name="s", num_cores=NC, num_subcores=NS
)

_lookup_call = functools.partial(
    pl.kernel,
    out_type=jax.ShapeDtypeStruct((BAGS,), jnp.float32),
    mesh=_MESH,
    compiler_params=pltpu.CompilerParams(needs_layout_passes=False),
    scratch_types=[
        pltpu.VMEM((CHUNK_IDX,), jnp.int32),
        pltpu.VMEM((CHUNK_IDX,), jnp.float32),
        pltpu.VMEM((1, 16), jnp.float32),
        pltpu.VMEM((CHUNK_BAGS,), jnp.float32),
        pltpu.SemaphoreType.DMA,
    ],
)(_lookup_body)


@jax.jit
def kernel(indices, tables, W, b):
    p = _project(tables, W)
    gidx = _flatten_idx(indices)
    bvec = jnp.broadcast_to(b.reshape(1, 1), (1, 16))
    out = _lookup_call(gidx, p, bvec)
    return out.reshape(BAGS, 1)

# --- scband reference (transcript-rebuilt; emitter-appended) ---
"""Pipeline reference for scband-test-model-13477607375385 (READ-ONLY COPY).

The authoritative reference and input builder live on the scoring server;
editing this copy changes nothing except your own understanding.
"""

import jax, jax.numpy as jnp
import numpy as np

F = 26      # number of sparse features / tables
B = 4096    # batch size (bags per feature)
L = 20      # values per bag (uniform jagged lengths)
V = 100000  # vocab (rows per embedding table)
D = 4       # embedding dim (matches over_arch Linear(4, 1))


def setup_inputs(seed: int = 0) -> dict:
    key = jax.random.key(seed)
    k1, k2, k3, k4 = jax.random.split(key, 4)
    indices = jax.random.randint(k1, (F, B, L), 0, V, dtype=jnp.int32)
    tables = jax.random.normal(k2, (F, V, D), dtype=jnp.float32) * 0.01
    W = jax.random.normal(k3, (1, D), dtype=jnp.float32)
    b = jax.random.normal(k4, (1,), dtype=jnp.float32)
    return {"indices": indices, "tables": tables, "W": W, "b": b}


def reference(indices, tables, W, b):
    # EmbeddingBagCollection: per-feature embedding lookup + sum pooling per bag.
    # tables: [F, V, D], indices: [F, B, L]
    gathered = jax.vmap(lambda t, idx: jnp.take(t, idx, axis=0))(tables, indices)  # [F, B, L, D]
    pooled = gathered.sum(axis=2)  # [F, B, D]  (sum pooling per bag)
    # to_dict() then cat along dim=0 over keys -> [F*B, D]
    sparse_features = pooled.reshape(F * B, D)
    # over_arch: Linear(4, 1)
    return sparse_features @ W.T + b

if __name__ == "__main__":
    import jax
    _d = setup_inputs()
    print(jax.jit(kernel)(*tuple(_d.values())))

</pallas_src>

<mosaic_0001>
#map = affine_map<(d0, d1) -> (0)>
#map1 = affine_map<(d0, d1) -> (0, 0)>
module attributes {stable_mosaic.version = 14 : i64} {
  func.func @_lookup_body(%arg0: i32, %arg1: i32, %arg2: memref<2129920xi32, #tpu.memory_space<hbm>>, %arg3: memref<2662400xf32, #tpu.memory_space<hbm>>, %arg4: memref<1x16xf32, #tpu.memory_space<hbm>>, %arg5: memref<106496xf32, #tpu.memory_space<hbm>>, %arg6: memref<16640xi32, #tpu.memory_space<vmem>>, %arg7: memref<16640xf32, #tpu.memory_space<vmem>>, %arg8: memref<1x16xf32, #tpu.memory_space<vmem>>, %arg9: memref<832xf32, #tpu.memory_space<vmem>>, %arg10: memref<!tpu.dma_semaphore, #tpu.memory_space<semaphore_mem>>) attributes {dimension_semantics = [#tpu.dimension_semantics<core_parallel>, #tpu.dimension_semantics<subcore_parallel>], iteration_bounds = array<i64: 2, 16>, scalar_prefetch = 0 : i64, scratch_operands = 5 : i64, tpu.core_type = #tpu.core_type<sc_vector_subcore>, window_params = [{transform_indices = #map}, {transform_indices = #map}, {transform_indices = #map1}, {transform_indices = #map}]} {
    %mul3A = arith.constant 2 : i32
    %mul3A_0 = arith.muli %arg1, %mul3A : i32
    %add3A = arith.addi %mul3A_0, %arg0 : i32
    "tpu.region"() ({
      %run_scoped3A = tpu.sem_alloc : memref<!tpu.dma_semaphore, #tpu.memory_space<semaphore_mem>>
      tpu.enqueue_dma source(%arg4 : memref<1x16xf32, #tpu.memory_space<hbm>>) target(%arg8 : memref<1x16xf32, #tpu.memory_space<vmem>>) target_semaphore(%run_scoped3A : memref<!tpu.dma_semaphore, #tpu.memory_space<semaphore_mem>>)
      tpu.wait_dma2 semaphore(%run_scoped3A : memref<!tpu.dma_semaphore, #tpu.memory_space<semaphore_mem>>) src(%arg4 : memref<1x16xf32, #tpu.memory_space<hbm>>) dst(%arg8 : memref<1x16xf32, #tpu.memory_space<vmem>>)
      tpu.yield
    }) : () -> ()
    %get3A = arith.constant 0 : i32
    %get3A_1 = arith.index_cast %get3A : i32 to index
    %get3A_2 = arith.constant 0 : index
    %get3A_3 = tpu.vector_load %arg8[%get3A_1, %get3A_2] {strides = array<i32>} : memref<1x16xf32, #tpu.memory_space<vmem>>, vector<16xf32>,
    %iota3A = tpu.iota {dimensions = array<i32: 0>} : vector<16xi32>
    %scan3A = arith.constant 0 : i32
    %scan3A_4 = arith.constant 0 : i32
    %scan3A_5 = arith.constant 4 : i32
    %scan3A_6 = arith.addi %scan3A_4, %scan3A_5 : i32
    %scan3A_7 = arith.constant 1 : i32
    scf.for %scan3A_9 = %scan3A_4 to %scan3A_6 step %scan3A_7  : i32 {
      %mul3A_10 = arith.constant 3328 : i32
      %mul3A_11 = arith.muli %add3A, %mul3A_10 : i32
      %mul3A_12 = arith.constant 832 : i32
      %mul3A_13 = arith.muli %scan3A_9, %mul3A_12 : i32
      %add3A_14 = arith.addi %mul3A_11, %mul3A_13 : i32
      %mul3A_15 = arith.constant 20 : i32
      %mul3A_16 = arith.muli %add3A_14, %mul3A_15 : i32
      "tpu.region"() ({
        %run_scoped3A = tpu.sem_alloc : memref<!tpu.dma_semaphore, #tpu.memory_space<semaphore_mem>>
        %dma_start3A_25 = tpu.memref_slice %arg2[%mul3A_16] : memref<2129920xi32, #tpu.memory_space<hbm>> -> memref<16640xi32, #tpu.memory_space<hbm>>
        %dma_start3A_26 = tpu.memref_slice %arg2[%mul3A_16] : memref<2129920xi32, #tpu.memory_space<hbm>> -> memref<16640xi32, #tpu.memory_space<hbm>>
        tpu.enqueue_dma source(%dma_start3A_26 : memref<16640xi32, #tpu.memory_space<hbm>>) target(%arg6 : memref<16640xi32, #tpu.memory_space<vmem>>) target_semaphore(%run_scoped3A : memref<!tpu.dma_semaphore, #tpu.memory_space<semaphore_mem>>)
        %dma_wait3A_27 = tpu.memref_slice %arg2[%mul3A_16] : memref<2129920xi32, #tpu.memory_space<hbm>> -> memref<16640xi32, #tpu.memory_space<hbm>>
        %dma_wait3A_28 = tpu.memref_slice %arg2[%mul3A_16] : memref<2129920xi32, #tpu.memory_space<hbm>> -> memref<16640xi32, #tpu.memory_space<hbm>>
        tpu.wait_dma2 semaphore(%run_scoped3A : memref<!tpu.dma_semaphore, #tpu.memory_space<semaphore_mem>>) src(%dma_wait3A_28 : memref<16640xi32, #tpu.memory_space<hbm>>) dst(%arg6 : memref<16640xi32, #tpu.memory_space<vmem>>)
        tpu.yield
      }) : () -> ()
      %dma_start3A = arith.constant 0 : i32
      %dma_start3A_17 = tpu.memref_slice %arg3[%dma_start3A] : memref<2662400xf32, #tpu.memory_space<hbm>> -> memref<2662400xf32, #tpu.memory_space<hbm>>
      tpu.enqueue_indirect_dma source(%dma_start3A_17 : memref<2662400xf32, #tpu.memory_space<hbm>>) target(%arg7 : memref<16640xf32, #tpu.memory_space<vmem>>) offsets(%arg6 : memref<16640xi32, #tpu.memory_space<vmem>>) semaphore(%arg10 : memref<!tpu.dma_semaphore, #tpu.memory_space<semaphore_mem>>)
      %dma_wait3A = arith.constant 0 : i32
      %dma_wait3A_18 = tpu.memref_slice %arg3[%dma_wait3A] : memref<2662400xf32, #tpu.memory_space<hbm>> -> memref<2662400xf32, #tpu.memory_space<hbm>>
      tpu.wait_indirect_dma semaphore(%arg10 : memref<!tpu.dma_semaphore, #tpu.memory_space<semaphore_mem>>) src(%dma_wait3A_18 : memref<2662400xf32, #tpu.memory_space<hbm>>) dst(%arg7 : memref<16640xf32, #tpu.memory_space<vmem>>)
      %scan3A_19 = arith.constant 0 : i32
      %scan3A_20 = arith.constant 0 : i32
      %scan3A_21 = arith.constant 52 : i32
      %scan3A_22 = arith.addi %scan3A_20, %scan3A_21 : i32
      %scan3A_23 = arith.constant 1 : i32
      scf.for %scan3A_25 = %scan3A_20 to %scan3A_22 step %scan3A_23  : i32 {
        %mul3A_26 = arith.constant 16 : i32
        %mul3A_27 = arith.muli %scan3A_25, %mul3A_26 : i32
        %add3A_28 = vector.broadcast %mul3A_27 : i32 to vector<16xi32>
        %add3A_29 = arith.addi %iota3A, %add3A_28 : vector<16xi32>
        %mul3A_30 = arith.constant 20 : i32
        %mul3A_31 = vector.broadcast %mul3A_30 : i32 to vector<16xi32>
        %mul3A_32 = arith.muli %add3A_29, %mul3A_31 : vector<16xi32>
        %gather3A = tpu.vector_load_idx %arg7[%mul3A_32] : memref<16640xf32, #tpu.memory_space<vmem>>[vector<16xi32>], vector<16xf32>,
        %add3A_33 = arith.constant 1 : i32
        %add3A_34 = vector.broadcast %add3A_33 : i32 to vector<16xi32>
        %add3A_35 = arith.addi %mul3A_32, %add3A_34 : vector<16xi32>
        %gather3A_36 = tpu.vector_load_idx %arg7[%add3A_35] : memref<16640xf32, #tpu.memory_space<vmem>>[vector<16xi32>], vector<16xf32>,
        %add3A_37 = arith.addf %gather3A, %gather3A_36 : vector<16xf32>
        %add3A_38 = arith.constant 2 : i32
        %add3A_39 = vector.broadcast %add3A_38 : i32 to vector<16xi32>
        %add3A_40 = arith.addi %mul3A_32, %add3A_39 : vector<16xi32>
        %gather3A_41 = tpu.vector_load_idx %arg7[%add3A_40] : memref<16640xf32, #tpu.memory_space<vmem>>[vector<16xi32>], vector<16xf32>,
        %add3A_42 = arith.addf %add3A_37, %gather3A_41 : vector<16xf32>
        %add3A_43 = arith.constant 3 : i32
        %add3A_44 = vector.broadcast %add3A_43 : i32 to vector<16xi32>
        %add3A_45 = arith.addi %mul3A_32, %add3A_44 : vector<16xi32>
        %gather3A_46 = tpu.vector_load_idx %arg7[%add3A_45] : memref<16640xf32, #tpu.memory_space<vmem>>[vector<16xi32>], vector<16xf32>,
        %add3A_47 = arith.addf %add3A_42, %gather3A_46 : vector<16xf32>
        %add3A_48 = arith.constant 4 : i32
        %add3A_49 = vector.broadcast %add3A_48 : i32 to vector<16xi32>
        %add3A_50 = arith.addi %mul3A_32, %add3A_49 : vector<16xi32>
        %gather3A_51 = tpu.vector_load_idx %arg7[%add3A_50] : memref<16640xf32, #tpu.memory_space<vmem>>[vector<16xi32>], vector<16xf32>,
        %add3A_52 = arith.addf %add3A_47, %gather3A_51 : vector<16xf32>
        %add3A_53 = arith.constant 5 : i32
        %add3A_54 = vector.broadcast %add3A_53 : i32 to vector<16xi32>
        %add3A_55 = arith.addi %mul3A_32, %add3A_54 : vector<16xi32>
        %gather3A_56 = tpu.vector_load_idx %arg7[%add3A_55] : memref<16640xf32, #tpu.memory_space<vmem>>[vector<16xi32>], vector<16xf32>,
        %add3A_57 = arith.addf %add3A_52, %gather3A_56 : vector<16xf32>
        %add3A_58 = arith.constant 6 : i32
        %add3A_59 = vector.broadcast %add3A_58 : i32 to vector<16xi32>
        %add3A_60 = arith.addi %mul3A_32, %add3A_59 : vector<16xi32>
        %gather3A_61 = tpu.vector_load_idx %arg7[%add3A_60] : memref<16640xf32, #tpu.memory_space<vmem>>[vector<16xi32>], vector<16xf32>,
        %add3A_62 = arith.addf %add3A_57, %gather3A_61 : vector<16xf32>
        %add3A_63 = arith.constant 7 : i32
        %add3A_64 = vector.broadcast %add3A_63 : i32 to vector<16xi32>
        %add3A_65 = arith.addi %mul3A_32, %add3A_64 : vector<16xi32>
        %gather3A_66 = tpu.vector_load_idx %arg7[%add3A_65] : memref<16640xf32, #tpu.memory_space<vmem>>[vector<16xi32>], vector<16xf32>,
        %add3A_67 = arith.addf %add3A_62, %gather3A_66 : vector<16xf32>
        %add3A_68 = arith.constant 8 : i32
        %add3A_69 = vector.broadcast %add3A_68 : i32 to vector<16xi32>
        %add3A_70 = arith.addi %mul3A_32, %add3A_69 : vector<16xi32>
        %gather3A_71 = tpu.vector_load_idx %arg7[%add3A_70] : memref<16640xf32, #tpu.memory_space<vmem>>[vector<16xi32>], vector<16xf32>,
        %add3A_72 = arith.addf %add3A_67, %gather3A_71 : vector<16xf32>
        %add3A_73 = arith.constant 9 : i32
        %add3A_74 = vector.broadcast %add3A_73 : i32 to vector<16xi32>
        %add3A_75 = arith.addi %mul3A_32, %add3A_74 : vector<16xi32>
        %gather3A_76 = tpu.vector_load_idx %arg7[%add3A_75] : memref<16640xf32, #tpu.memory_space<vmem>>[vector<16xi32>], vector<16xf32>,
        %add3A_77 = arith.addf %add3A_72, %gather3A_76 : vector<16xf32>
        %add3A_78 = arith.constant 10 : i32
        %add3A_79 = vector.broadcast %add3A_78 : i32 to vector<16xi32>
        %add3A_80 = arith.addi %mul3A_32, %add3A_79 : vector<16xi32>
        %gather3A_81 = tpu.vector_load_idx %arg7[%add3A_80] : memref<16640xf32, #tpu.memory_space<vmem>>[vector<16xi32>], vector<16xf32>,
        %add3A_82 = arith.addf %add3A_77, %gather3A_81 : vector<16xf32>
        %add3A_83 = arith.constant 11 : i32
        %add3A_84 = vector.broadcast %add3A_83 : i32 to vector<16xi32>
        %add3A_85 = arith.addi %mul3A_32, %add3A_84 : vector<16xi32>
        %gather3A_86 = tpu.vector_load_idx %arg7[%add3A_85] : memref<16640xf32, #tpu.memory_space<vmem>>[vector<16xi32>], vector<16xf32>,
        %add3A_87 = arith.addf %add3A_82, %gather3A_86 : vector<16xf32>
        %add3A_88 = arith.constant 12 : i32
        %add3A_89 = vector.broadcast %add3A_88 : i32 to vector<16xi32>
        %add3A_90 = arith.addi %mul3A_32, %add3A_89 : vector<16xi32>
        %gather3A_91 = tpu.vector_load_idx %arg7[%add3A_90] : memref<16640xf32, #tpu.memory_space<vmem>>[vector<16xi32>], vector<16xf32>,
        %add3A_92 = arith.addf %add3A_87, %gather3A_91 : vector<16xf32>
        %add3A_93 = arith.constant 13 : i32
        %add3A_94 = vector.broadcast %add3A_93 : i32 to vector<16xi32>
        %add3A_95 = arith.addi %mul3A_32, %add3A_94 : vector<16xi32>
        %gather3A_96 = tpu.vector_load_idx %arg7[%add3A_95] : memref<16640xf32, #tpu.memory_space<vmem>>[vector<16xi32>], vector<16xf32>,
        %add3A_97 = arith.addf %add3A_92, %gather3A_96 : vector<16xf32>
        %add3A_98 = arith.constant 14 : i32
        %add3A_99 = vector.broadcast %add3A_98 : i32 to vector<16xi32>
        %add3A_100 = arith.addi %mul3A_32, %add3A_99 : vector<16xi32>
        %gather3A_101 = tpu.vector_load_idx %arg7[%add3A_100] : memref<16640xf32, #tpu.memory_space<vmem>>[vector<16xi32>], vector<16xf32>,
        %add3A_102 = arith.addf %add3A_97, %gather3A_101 : vector<16xf32>
        %add3A_103 = arith.constant 15 : i32
        %add3A_104 = vector.broadcast %add3A_103 : i32 to vector<16xi32>
        %add3A_105 = arith.addi %mul3A_32, %add3A_104 : vector<16xi32>
        %gather3A_106 = tpu.vector_load_idx %arg7[%add3A_105] : memref<16640xf32, #tpu.memory_space<vmem>>[vector<16xi32>], vector<16xf32>,
        %add3A_107 = arith.addf %add3A_102, %gather3A_106 : vector<16xf32>
        %add3A_108 = arith.constant 16 : i32
        %add3A_109 = vector.broadcast %add3A_108 : i32 to vector<16xi32>
        %add3A_110 = arith.addi %mul3A_32, %add3A_109 : vector<16xi32>
        %gather3A_111 = tpu.vector_load_idx %arg7[%add3A_110] : memref<16640xf32, #tpu.memory_space<vmem>>[vector<16xi32>], vector<16xf32>,
        %add3A_112 = arith.addf %add3A_107, %gather3A_111 : vector<16xf32>
        %add3A_113 = arith.constant 17 : i32
        %add3A_114 = vector.broadcast %add3A_113 : i32 to vector<16xi32>
        %add3A_115 = arith.addi %mul3A_32, %add3A_114 : vector<16xi32>
        %gather3A_116 = tpu.vector_load_idx %arg7[%add3A_115] : memref<16640xf32, #tpu.memory_space<vmem>>[vector<16xi32>], vector<16xf32>,
        %add3A_117 = arith.addf %add3A_112, %gather3A_116 : vector<16xf32>
        %add3A_118 = arith.constant 18 : i32
        %add3A_119 = vector.broadcast %add3A_118 : i32 to vector<16xi32>
        %add3A_120 = arith.addi %mul3A_32, %add3A_119 : vector<16xi32>
        %gather3A_121 = tpu.vector_load_idx %arg7[%add3A_120] : memref<16640xf32, #tpu.memory_space<vmem>>[vector<16xi32>], vector<16xf32>,
        %add3A_122 = arith.addf %add3A_117, %gather3A_121 : vector<16xf32>
        %add3A_123 = arith.constant 19 : i32
        %add3A_124 = vector.broadcast %add3A_123 : i32 to vector<16xi32>
        %add3A_125 = arith.addi %mul3A_32, %add3A_124 : vector<16xi32>
        %gather3A_126 = tpu.vector_load_idx %arg7[%add3A_125] : memref<16640xf32, #tpu.memory_space<vmem>>[vector<16xi32>], vector<16xf32>,
        %add3A_127 = arith.addf %add3A_122, %gather3A_126 : vector<16xf32>
        %add3A_128 = arith.addf %add3A_127, %get3A_3 : vector<16xf32>
        %mul3A_129 = arith.constant 16 : i32
        %mul3A_130 = arith.muli %scan3A_25, %mul3A_129 : i32
        %swap3A = arith.index_cast %mul3A_130 : i32 to index
        %swap3A_131 = tpu.vector_load %arg9[%swap3A] {strides = array<i32>} : memref<832xf32, #tpu.memory_space<vmem>>, vector<16xf32>,
        tpu.vector_store %arg9[%swap3A], %add3A_128 {strides = array<i32>} : memref<832xf32, #tpu.memory_space<vmem>>, vector<16xf32>,
      }
      %scan3A_24 = arith.constant 52 : i32
      "tpu.region"() ({
        %run_scoped3A = tpu.sem_alloc : memref<!tpu.dma_semaphore, #tpu.memory_space<semaphore_mem>>
        %dma_start3A_25 = tpu.memref_slice %arg5[%add3A_14] : memref<106496xf32, #tpu.memory_space<hbm>> -> memref<832xf32, #tpu.memory_space<hbm>>
        %dma_start3A_26 = tpu.memref_slice %arg5[%add3A_14] : memref<106496xf32, #tpu.memory_space<hbm>> -> memref<832xf32, #tpu.memory_space<hbm>>
        tpu.enqueue_dma source(%arg9 : memref<832xf32, #tpu.memory_space<vmem>>) target(%dma_start3A_26 : memref<832xf32, #tpu.memory_space<hbm>>) target_semaphore(%run_scoped3A : memref<!tpu.dma_semaphore, #tpu.memory_space<semaphore_mem>>)
        %dma_wait3A_27 = tpu.memref_slice %arg5[%add3A_14] : memref<106496xf32, #tpu.memory_space<hbm>> -> memref<832xf32, #tpu.memory_space<hbm>>
        %dma_wait3A_28 = tpu.memref_slice %arg5[%add3A_14] : memref<106496xf32, #tpu.memory_space<hbm>> -> memref<832xf32, #tpu.memory_space<hbm>>
        tpu.wait_dma2 semaphore(%run_scoped3A : memref<!tpu.dma_semaphore, #tpu.memory_space<semaphore_mem>>) src(%arg9 : memref<832xf32, #tpu.memory_space<vmem>>) dst(%dma_wait3A_28 : memref<832xf32, #tpu.memory_space<hbm>>)
        tpu.yield
      }) : () -> ()
    }
    %scan3A_8 = arith.constant 4 : i32
    return
  }
}

module attributes {stable_mosaic.version = 14 : i64} {
  func.func @_proj_tc_body(%arg0: i32, %arg1: i32, %arg2: memref<1x4xf32, #tpu.memory_space<vmem>>, %arg3: memref<1x10240x4xf32, #tpu.memory_space<vmem>>, %arg4: memref<2662400xf32, #tpu.memory_space<vmem>>) attributes {dimension_semantics = [#tpu.dimension_semantics<arbitrary>, #tpu.dimension_semantics<arbitrary>], iteration_bounds = array<i64: 26, 10>, scalar_prefetch = 0 : i64, scratch_operands = 0 : i64, tpu.core_type = #tpu.core_type<tc>, window_params = [{pipeline_mode = #tpu.pipeline_mode<synchronous>, transform_indices = @transform_0, window_bounds = array<i64: 1, 4>}, {transform_indices = @transform_1, window_bounds = array<i64: 1, 10240, 4>}, {pipeline_mode = #tpu.pipeline_mode<synchronous>, transform_indices = @transform_2, window_bounds = array<i64: 2662400>}]} {
    %get3A = arith.constant 0 : index
    %get3A_0 = arith.constant 0 : index
    %get3A_1 = arith.constant 0 : index
    %get3A_2 = vector.load %arg3[%get3A, %get3A_0, %get3A_1] : memref<1x10240x4xf32, #tpu.memory_space<vmem>>, vector<1x10240x4xf32>
    %get3A_3 = vector.shape_cast %get3A_2 : vector<1x10240x4xf32> to vector<10240x4xf32>
    %get3A_4 = arith.constant 0 : index
    %get3A_5 = arith.constant 0 : index
    %get3A_6 = vector.load %arg2[%get3A_4, %get3A_5] : memref<1x4xf32, #tpu.memory_space<vmem>>, vector<1x4xf32>
    %dot_general3A = arith.constant dense<0.000000e+00> : vector<10240x1xf32>
    %dot_general3A_7 = tpu.matmul %get3A_3, %get3A_6, %dot_general3A {dimension_numbers = #tpu.dot_dimension_numbers<[1], [1], [0], [0], [0, 0, 1, 0], [], []>, transpose_lhs_hint = false} : vector<10240x4xf32>, vector<1x4xf32>, vector<10240x1xf32> -> vector<10240x1xf32>
    %squeeze3A = vector.shape_cast %dot_general3A_7 : vector<10240x1xf32> to vector<10240xf32>
    %mul3A = arith.constant 102400 : i32
    %mul3A_8 = arith.muli %arg0, %mul3A : i32
    %mul3A_9 = arith.constant 10240 : i32
    %mul3A_10 = arith.muli %arg1, %mul3A_9 : i32
    %add3A = arith.addi %mul3A_8, %mul3A_10 : i32
    %swap3A = arith.index_cast %add3A : i32 to index
    %swap3A_11 = vector.load %arg4[%swap3A] : memref<2662400xf32, #tpu.memory_space<vmem>>, vector<10240xf32>
    tpu.vector_store %arg4[%swap3A], %squeeze3A {strides = array<i32>} : memref<2662400xf32, #tpu.memory_space<vmem>>, vector<10240xf32>,
    return
  }
  func.func @transform_0(%arg0: i32, %arg1: i32) -> (i32, i32) {
    %c0_i32 = arith.constant 0 : i32
    %c0_i32_0 = arith.constant 0 : i32
    %c0_i32_1 = arith.constant 0 : i32
    return %c0_i32, %c0_i32_0 : i32, i32
  }
  func.func @transform_1(%arg0: i32, %arg1: i32) -> (i32, i32, i32) {
    %c0_i32 = arith.constant 0 : i32
    %c0_i32_0 = arith.constant 0 : i32
    return %arg0, %arg1, %c0_i32 : i32, i32, i32
  }
  func.func @transform_2(%arg0: i32, %arg1: i32) -> i32 {
    %c0_i32 = arith.constant 0 : i32
    %c0_i32_0 = arith.constant 0 : i32
    return %c0_i32 : i32
  }
}

</mosaic_0001>

<sc_bundles>
// kernel: kernel.4.cloned.1.call-start
scs
__scs_entry_jumppad:
0x0: {  	(pc) =	sbr.rel $0x88, $3  }
0x1: {  	(tag) =	ssettag $0x0;
	lr =	simm.s32 $0x1  }
0x2: {  	[smem:$0x3F9D] =	sst lr;
	_ =	strace $0xD0000000  }
0x3: {  	_ = 	snop  }
0x4: {  	_ = 	snop  }
0x5: {  	_ = 	snop  }
0x6: {  	_ = 	snop  }
0x7: {  	_ = 	snop  }
__scs_overlays_trampoline_lowered:
0x8: {  	[smem:$0x3FAC] =	sst s0  }
0x9: {  	[smem:$0x3FAD] =	sst s1  }
0xa: {  	[smem:$0x3FAE] =	sst s2  }
0xb: {  	[smem:$0x3FAF] =	sst s3  }
0xc: {  	[smem:$0x3FB0] =	sst s4  }
0xd: {  	[smem:$0x3FB1] =	sst s5  }
0xe: {  	[smem:$0x3FB2] =	sst s6  }
0xf: {  	[smem:$0x3FB3] =	sst s7  }
0x10: {  	[smem:$0x3FB4] =	sst s8  }
0x11: {  	[smem:$0x3FB5] =	sst s9;
	s0 =	simm.s32 @!p0 $0x0  }
0x12: {  	s1 =	sld [smem:$0x3F9B];
	s0 =	simm.s32 @p0 $0x1  }
0x13: {  	[smem:$0x3FB6] =	sst s0;
	s0 =	simm.s32 @!p1 $0x0  }
0x14: {  	s2 =	sld [smem:$0x3F9A];
	s0 =	simm.s32 @p1 $0x1  }
0x15: {  	[smem:$0x3FB7] =	sst s0;
	s0 =	simm.s32 @!p2 $0x0  }
0x16: {  	s3 =	sld [smem:$0x3FDB];
	s0 =	simm.s32 @p2 $0x1  }
0x17: {  	s4 =	simm.s32 $0x1BF5;
	[smem:$0x3FB9] =	sst s0  }
0x18: {  	s0 =	sld [smem:$0x3F9C];
	_ =	swait.ge [sflag:s4], $0x0  }
0x19: {  	s7 =	sld [smem:$0x3F9D]  }
0x1a: {  	s8 =	sadd.s32 $0xFFFFE003, lr  }
0x1b: {  	s9 =	sadd.s32 $0xFFFFFEF7, lr;
	s5 =	simm.s32 $0xFFFFFFFF;
	p2 =	slt.u32 s8, $0xFFFFF086  }
0x1c: {  	p1 =	slt.u32 s9, $0xF7A;
	s5 =	simm.s32 @!p2 $0x0  }
0x1d: {  	s5 =	simm.s32 @p1 $0x1;
	p0 =	seq.s32 s7, s2  }
0x1e: {  	s7 =	smul.u32 @!p0 $0xF7A, s2;
	p2 =	seq.s32 @!p0 s5, $0x0  }
0x1f: {  	s9 =	smul.u32 $0xF7A, s1;
	s8 =	simm.s32 @!p0 $0x1BF5;
	p2 =	por !p2, p0  }
0x20: {  	[sflag:s8] =	ssyncset.s32 @!p0 $0xFFFFF086;
	s6 =	sadd.s32 @!p0 s3, s7;
	s7 =	simm.s32 @!p0 $0x108  }
0x21: {  	s3 =	sadd.s32 s3, s9;
	s6 =	sadd.s32 @!p0 $0x88, s6;
	s7 =	simm.s32 @p2 $0x1082  }
0x22: {  	[simem:s7], [sflag:s8] =	dma.local @!p0 [hbm:s6], $0xF7A  }
0x23: {  	s9 =	sor.u32 $0xD0000000, s2;
	s6 =	simm.s32 $0x108;
	_ =	swait.ge @!p0 [sflag:s8], $0x0  }
0x24: {  	s3 =	sadd.s32 $0x88, s3;
	s6 =	simm.s32 @!p1 $0x1082;
	[sflag:s4] =	ssyncset.s32 $0xFFFFF086  }
0x25: {  	[simem:s6], [sflag:s4] =	dma.local [hbm:s3], $0xF7A  }
0x26: {  	[smem:$0x3F9D] =	sst s1;
	(tag) =	ssettag s2;
	_ =	strace s9  }
0x27: {  	s1 =	sld [smem:$0x3FAD]  }
0x28: {  	s2 =	sld [smem:$0x3FAE]  }
0x29: {  	s4 =	sld [smem:$0x3FB0]  }
0x2a: {  	p0 =	seq.s32 s5, $0x0;
	s5 =	sld [smem:$0x3FB1]  }
0x2b: {  	s6 =	sld [smem:$0x3FB2]  }
0x2c: {  	s7 =	sld [smem:$0x3FB3]  }
0x2d: {  	s3 =	simm.s32 $0x108;
	s8 =	sld [smem:$0x3FB4]  }
0x2e: {  	s3 =	simm.s32 @!p0 $0x1082;
	s9 =	sld [smem:$0x3FB5]  }
0x2f: {  	lr =	sadd.s32 s0, s3;
	s0 =	sld [smem:$0x3FAC]  }
0x30: {  	s3 =	sld [smem:$0x3FAF]  }
0x31: {  	[smem:$0x3FB8] =	sst s10  }
0x32: {  	s10 =	sld [smem:$0x3FB6];
	_ =	sdelay $0x3  }
0x33: {  	p0 =	seq.s32 s10, $0x1;
	s10 =	sld [smem:$0x3FB8];
	_ =	sdelay $0x3  }
0x34: {  	[smem:$0x3FB8] =	sst s10  }
0x35: {  	s10 =	sld [smem:$0x3FB7];
	_ =	sdelay $0x3  }
0x36: {  	p1 =	seq.s32 s10, $0x1;
	s10 =	sld [smem:$0x3FB8];
	_ =	sdelay $0x3  }
0x37: {  	[smem:$0x3FB8] =	sst s10  }
0x38: {  	s10 =	sld [smem:$0x3FB9]  }
0x39: {  	_ = 	snop;
	(pc) =	sbr.ind lr, $3  }
0x3a: {  	_ = 	snop  }
0x3b: {  	_ = 	snop  }
0x3c: {  	p2 =	seq.s32 s10, $0x1;
	s10 =	sld [smem:$0x3FB8]  }
0x3d: {  	_ =	shalt  }
0x3e: {  	_ =	shalt  }
0x3f: {  	_ =	shalt  }
0x40: {  	_ =	shalt  }
0x41: {  	_ =	shalt  }
0x42: {  	_ =	shalt  }
0x43: {  	_ =	shalt  }
0x44: {  	_ =	shalt  }
0x45: {  	_ =	shalt  }
0x46: {  	_ =	shalt  }
0x47: {  	_ =	shalt  }
0x48: {  	_ =	shalt  }
0x49: {  	_ =	shalt  }
0x4a: {  	_ =	shalt  }
0x4b: {  	_ =	shalt  }
0x4c: {  	_ =	shalt  }
0x4d: {  	_ =	shalt  }
0x4e: {  	_ =	shalt  }
0x4f: {  	_ =	shalt  }
0x50: {  	_ =	shalt  }
0x51: {  	_ =	shalt  }
0x52: {  	_ =	shalt  }
0x53: {  	_ =	shalt  }
0x54: {  	_ =	shalt  }
0x55: {  	_ =	shalt  }
0x56: {  	_ =	shalt  }
0x57: {  	_ =	shalt  }
0x58: {  	_ =	shalt  }
0x59: {  	_ =	shalt  }
0x5a: {  	_ =	shalt  }
0x5b: {  	_ =	shalt  }
0x5c: {  	_ =	shalt  }
0x5d: {  	_ =	shalt  }
0x5e: {  	_ =	shalt  }
0x5f: {  	_ =	shalt  }
0x60: {  	_ =	shalt  }
0x61: {  	_ =	shalt  }
0x62: {  	_ =	shalt  }
0x63: {  	_ =	shalt  }
0x64: {  	_ =	shalt  }
0x65: {  	_ =	shalt  }
0x66: {  	_ =	shalt  }
0x67: {  	_ =	shalt  }
0x68: {  	_ =	shalt  }
0x69: {  	_ =	shalt  }
0x6a: {  	_ =	shalt  }
0x6b: {  	_ =	shalt  }
0x6c: {  	_ =	shalt  }
0x6d: {  	_ =	shalt  }
0x6e: {  	_ =	shalt  }
0x6f: {  	_ =	shalt  }
0x70: {  	_ =	shalt  }
0x71: {  	_ =	shalt  }
0x72: {  	_ =	shalt  }
0x73: {  	_ =	shalt  }
0x74: {  	_ =	shalt  }
0x75: {  	_ =	shalt  }
0x76: {  	_ =	shalt  }
0x77: {  	_ =	shalt  }
0x78: {  	_ =	shalt  }
0x79: {  	_ =	shalt  }
0x7a: {  	_ =	shalt  }
0x7b: {  	_ =	shalt  }
0x7c: {  	_ =	shalt  }
0x7d: {  	_ =	shalt  }
0x7e: {  	_ =	shalt  }
0x7f: {  	_ =	shalt  }
0x80: {  	_ =	shalt  }
0x81: {  	_ =	shalt  }
0x82: {  	_ =	shalt  }
0x83: {  	_ =	shalt  }
0x84: {  	_ =	shalt  }
0x85: {  	_ =	shalt  }
0x86: {  	_ =	shalt  }
0x87: {  	_ =	shalt  }
.Lfunc_end0:
.L_simem_size_0:
called_computation_lowered:
.L_overlay_start_0:
0x88: {  	s2 =	sld [smem:$0x3FD9]  }
0x89: {  	s3 =	sld [smem:$0x3FFE];
	_ =	sdelay $0x1  }
0x8a: {  	s1 =	srdreg.scid  }
0x8b: {  	s0 =	sand.u32 $0x1, s1  }
0x8c: {  	s17 =	sshll.u32 s0, $0xA;
	s2 =	sadd.s32 s3, s2  }
0x8d: {  	s2 =	sadd.s32 s2, s17  }
0x8e: {  	[smem:$0x3FC4] =	sst s2  }
0x8f: {  	_ = 	snop  }
0x90: {  	s2 =	sld [smem:$0x3FD0];
	(tm) =	ssettm $0x1  }
0x91: {  	s18 =	sld [smem:$0x3FFB];
	_ =	sdelay $0x3  }
0x92: {  	_ =	strace s18  }
0x93: {  	s3 =	sld [smem:$0x3FFC];
	_ =	sdelay $0x3  }
0x94: {  	_ =	strace s3  }
0x95: {  	s3 =	sld [smem:$0x3FFD];
	_ =	sdelay $0x3  }
0x96: {  	_ =	strace s3  }
0x97: {  	_ =	strace $0x8FFFFFFF  }
0x98: {  	s19 =	sld [smem:$0x3FDB];
	_ =	sdelay $0x1  }
0x99: {  	s4 =	simm.s32 $_scs_section_size  }
0x9a: {  	s5 =	simm.s32 $_size__tile_overlayer_lowered;
	s6 =	simm.s32 $_tile_overlayer_lowered  }
0x9b: {  	s22 =	simm.s32 $0x1BFF;
	s21 =	sshll.u32 s6, $0x1;
	s3 =	sadd.s32 s4, s19  }
0x9c: {  	s7 =	simm.s32 $0x0;
	s20 =	sshll.u32 s5, $0x1;
	s5 =	sadd.s32 s21, s3  }
0x9d: {  	[timem:s7], [sflag:s22] =	dma.local [hbm:s5], s20  }
0x9e: {  	_ =	swait.ge [sflag:s22], s20  }
0x9f: {  	s4 =	ssub.s32 $0x0, s20;
	[sflag:s22] =	ssyncset.done $0x0  }
0xa0: {  	[sflag:s22] =	ssyncadd.s32 s4;
	_ =	sdelay $0x1  }
0xa1: {  	s23 =	simm.s32 $0x1B8B  }
0xa2: {  	_ =	swait.ge [sflag:s23], $0x1  }
0xa3: {  	[sflag:s23] =	ssyncset.done $0x0  }
0xa4: {  	s25 =	simm.s32 $0x1B8E;
	s24 =	sld [smem:$0x3FFE];
	[sflag:s23] =	ssyncadd.s32 $0xFFFFFFFF  }
0xa5: {  	s26 =	simm.s32 $execute0_lowered;
	[smem:$0x3FD2] =	sst s25  }
0xa6: {  	s5 =	sshll.u32 s26, $0x1;
	_ =	strace $0x80000046;
	[dreg:$0x1] =	wrdreg $0xFFFFFFFF  }
0xa7: {  	s28 =	simm.s32 $_size_execute0_lowered;
	s3 =	sadd.s32 s3, s5;
	[dreg:$0x0] =	wrdreg $0x0  }
0xa8: {  	s5 =	sshll.u32 s28, $0x1;
	[dreg:$0x2] =	wrdreg s3  }
0xa9: {  	[dreg:$0x3] =	wrdreg s5  }
0xaa: {  	[dreg:$0x4] =	wrdreg $0xC0  }
0xab: {  	_ =	task [dreg:s7], $0x5FFFF  }
0xac: {  	[dreg:$0x1] =	wrdreg $0xFFFFFFFF  }
0xad: {  	[dreg:$0x0] =	wrdreg $0x60  }
0xae: {  	[dreg:$0x2] =	wrdreg s24  }
0xaf: {  	[dreg:$0x3] =	wrdreg s2  }
0xb0: {  	[dreg:$0x4] =	wrdreg $0x9  }
0xb1: {  	_ =	task.clear_ibuf [dreg:s7], $0x5FFFF;
	_ =	strace $0x90000046  }
0xb2: {  	s29 =	simm.s32 $0x9;
	_ =	strace $0x80000048  }
0xb3: {  	_ =	swait.ge [sflag:s29], $0x1  }
0xb4: {  	[sflag:s29] =	ssyncadd.s32 $0xFFFFFFFF  }
0xb5: {  	_ =	strace $0x90000048  }
0xb6: {  	_ =	sfence  }
0xb7: {  	s30 =	sld [smem:$0x0];
	_ =	sdelay $0x2  }
0xb8: {  	s31 =	sshll.u32 s1, $0xD;
	s1 =	sshrl.u32 s1, $0x2  }
0xb9: {  	s3 =	sand.u32 $0x4000, s31;
	s1 =	sadd.s32 s1, s30  }
0xba: {  	s0 =	sor.u32 s3, s0;
	s1 =	sshll.u32 s1, $0x11  }
0xbb: {  	s0 =	sor.u32 s1, s0  }
0xbc: {  	s0 =	sadd.s32 $0x8F2B, s0  }
0xbd: {  	[sflag:s0] =	ssyncadd.remote.s32 $0x1  }
0xbe: {  	_ =	sfence.sel $0xFFFF  }
0xbf: {  	[dreg:$0x0] =	wrdreg $0xFFFFFFFF;
	(pc) =	sbr.abs _section_cstart, $3  }
0xc0: {  	[dreg:$0x1] =	wrdreg $0xFFFFFFFF  }
0xc1: {  	_ =	task.clear_ibuf [dreg:s7], $0x2FFFF;
	_ =	strace $0x9FFFFFFF  }
0xc2: {  	(tm) =	ssettm $0x7FFFFFFF  }
0xc3: {  	_ =	shalt  }
tec
execute0_lowered:
.L_overlay_start_1:
0x0: {  	(tag) =	ssettag $0x1  }
0x1: {  	s6 =	rddreg [dreg:$0x0];
	v0 =	vlaneseq.u32  }
0x2: {  	s1 =	rddreg [dreg:$0x1];
	v0 =	vmul.u32 $0x14, v0  }
0x3: {  	s0 =	rddreg [dreg:$0x2];
	s2 =	simm.s32 $0x0  }
0x4: {  	s3 =	srdreg.scid;
	s11 =	simm.s32 $0x4100;
	s12 =	simm.s32 $0x1;
	v1 =	vor.u32 $0x1, v0  }
0x5: {  	s13 =	simm.s32 $0x8280;
	s14 =	simm.s32 $0x0;
	[smem:$0x7FF] =	sst s2;
	v2 =	vor.u32 $0x2, v0;
	v3 =	vor.u32 $0x3, v0;
	v4 =	vadd.s32 $0x4, v0  }
0x6: {  	s7 =	sand.u32 $0x1, s3;
	s3 =	stileid.u32;
	s4 =	sadd.s32 $0x294D000, s6;
	v5 =	vadd.s32 $0x5, v0;
	v6 =	vadd.s32 $0x6, v0;
	v7 =	vadd.s32 $0x7, v0  }
0x7: {  	s5 =	sadd.s32 $0xC00, s6;
	s6 =	sadd.s32 $0x52000, s6;
	s8 =	ssub.s32 $0x2, s7;
	v8 =	vadd.s32 $0x8, v0;
	v9 =	vadd.s32 $0x9, v0;
	v10 =	vadd.s32 $0xA, v0  }
0x8: {  	_ =	strace $0x80000047;
	s10 =	sshll.u32 s3, $0x1;
	s9 =	sshrl.u32 s8, $0x1;
	v11 =	vadd.s32 $0xB, v0;
	v12 =	vadd.s32 $0xC, v0;
	v13 =	vadd.s32 $0xD, v0  }
0x9: {  	s7 =	sor.u32 s7, s10;
	s10 =	simm.s32 $0x2;
	v14 =	vadd.s32 $0xE, v0;
	v15 =	vadd.s32 $0xF, v0;
	v16 =	vadd.s32 $0x10, v0;
	s8 =	ssub.s32 s8, s9  }
0xa: {  	v17 =	vadd.s32 $0x11, v0;
	v18 =	vadd.s32 $0x12, v0;
	v19 =	vadd.s32 $0x13, v0;
	s7 =	smul.u32 $0xD00, s7;
	s9 =	simm.s32 $0x8200;
	s8 =	smax.u32 s8, $0x1  }
.LBB2_1:
0xb: {  	[tilespmem:s9], [sflag:$0x2] =	stream.linear.gather [hbm4b:s6+s2], $0x80, $0x38;
	[tilespmem:$0x8600] =	vst v63  }
0xc: {  	_ =	swait.ge [sflag:s10], $0x80  }
0xd: {  	[sflag:s10] =	ssyncset.done $0x0  }
0xe: {  	[sflag:s10] =	ssyncadd.s32 $0xFFFFFF80  }
0xf: {  	s15 =	simm.s32 $0x0;
	v20 =	vld [tilespmem:$0x8200]  }
.LBB2_2:
0x10: {  	s16 =	smul.u32 $0x340, s15;
	_ =	sdelay $0x1  }
0x11: {  	s16 =	sadd.s32 s7, s16  }
0x12: {  	s17 =	smul.u32 $0x14, s16  }
0x13: {  	s18 =	simm.s32 $0x0  }
0x14: {  	v21 =	vmov s18;
	s17 =	sshrl.u32 s17, $0x3  }
0x15: {  	v21 =	vmul.u32 $0x14, v21;
	s17 =	sadd.s32 s4, s17  }
0x16: {  	[tilespmem:s18], [sflag:$0x2] =	stream.linear.gather [hbm4b:s17+s18], $0x4100, $0x38;
	[tilespmem:$0x8600] =	vst v63  }
0x17: {  	v21 =	vbroadcast v21, $0x0;
	_ =	swait.ge [sflag:s10], $0x4100  }
0x18: {  	[sflag:s10] =	ssyncset.done $0x0  }
0x19: {  	v22 =	vadd.s32 v1, v21;
	[sflag:s10] =	ssyncadd.s32 $0xFFFFBF00  }
0x1a: {  	v23 =	vadd.s32 v0, v21;
	[tilespmem:s11], [sflag:$0x1] =	stream.indirect.gather [hbm4b:s5+s11], $0x1, s18, s11, $0xb8;
	[tilespmem:$0x8600] =	vst v63  }
0x1b: {  	_ =	swait.ge [sflag:s12], $0x4100  }
0x1c: {  	v24 =	vadd.s32 v2, v21;
	[sflag:s12] =	ssyncset.done $0x0  }
0x1d: {  	[sflag:s12] =	ssyncadd.s32 $0xFFFFBF00  }
0x1e: {  	v25 =	vadd.s32 v3, v21;
	v22 =	vld.idx.msk [tilespmem:v22+s11+$0x0], $0xffff  }
0x1f: {  	v23 =	vld.idx.msk [tilespmem:v23+s11+$0x0], $0xffff  }
0x20: {  	v26 =	vadd.s32 v4, v21  }
0x21: {  	v24 =	vld.idx.msk [tilespmem:v24+s11+$0x0], $0xffff  }
0x22: {  	v27 =	vadd.s32 v5, v21  }
0x23: {  	v25 =	vld.idx.msk [tilespmem:v25+s11+$0x0], $0xffff  }
0x24: {  	v28 =	vadd.s32 v6, v21;
	v22 =	vadd.f32 v22, v23  }
0x25: {  	v23 =	vld.idx.msk [tilespmem:v26+s11+$0x0], $0xffff  }
0x26: {  	v26 =	vadd.s32 v7, v21;
	v22 =	vadd.f32 v24, v22  }
0x27: {  	v24 =	vld.idx.msk [tilespmem:v27+s11+$0x0], $0xffff  }
0x28: {  	v27 =	vadd.s32 v8, v21;
	v22 =	vadd.f32 v25, v22  }
0x29: {  	v25 =	vld.idx.msk [tilespmem:v28+s11+$0x0], $0xffff  }
0x2a: {  	v56 =	vadd.s32 v9, v21;
	v22 =	vadd.f32 v23, v22  }
0x2b: {  	v23 =	vld.idx.msk [tilespmem:v26+s11+$0x0], $0xffff  }
0x2c: {  	v26 =	vadd.s32 v10, v21;
	v22 =	vadd.f32 v24, v22  }
0x2d: {  	v24 =	vld.idx.msk [tilespmem:v27+s11+$0x0], $0xffff  }
0x2e: {  	v27 =	vadd.s32 v11, v21;
	v22 =	vadd.f32 v25, v22  }
0x2f: {  	v25 =	vld.idx.msk [tilespmem:v56+s11+$0x0], $0xffff  }
0x30: {  	v57 =	vadd.s32 v12, v21;
	v22 =	vadd.f32 v23, v22  }
0x31: {  	v23 =	vld.idx.msk [tilespmem:v26+s11+$0x0], $0xffff  }
0x32: {  	v26 =	vadd.s32 v13, v21;
	v22 =	vadd.f32 v24, v22  }
0x33: {  	v24 =	vld.idx.msk [tilespmem:v27+s11+$0x0], $0xffff  }
0x34: {  	v27 =	vadd.s32 v14, v21;
	v22 =	vadd.f32 v25, v22  }
0x35: {  	v25 =	vld.idx.msk [tilespmem:v57+s11+$0x0], $0xffff  }
0x36: {  	v58 =	vadd.s32 v15, v21;
	v22 =	vadd.f32 v23, v22  }
0x37: {  	v23 =	vld.idx.msk [tilespmem:v26+s11+$0x0], $0xffff  }
0x38: {  	v26 =	vadd.s32 v16, v21;
	v22 =	vadd.f32 v24, v22  }
0x39: {  	v24 =	vld.idx.msk [tilespmem:v27+s11+$0x0], $0xffff  }
0x3a: {  	v27 =	vadd.s32 v17, v21;
	v22 =	vadd.f32 v25, v22  }
0x3b: {  	v25 =	vld.idx.msk [tilespmem:v58+s11+$0x0], $0xffff  }
0x3c: {  	v59 =	vadd.s32 v18, v21;
	v22 =	vadd.f32 v23, v22  }
0x3d: {  	v23 =	vld.idx.msk [tilespmem:v26+s11+$0x0], $0xffff  }
0x3e: {  	v21 =	vadd.s32 v19, v21;
	v22 =	vadd.f32 v24, v22  }
0x3f: {  	v24 =	vld.idx.msk [tilespmem:v27+s11+$0x0], $0xffff  }
0x40: {  	v22 =	vadd.f32 v25, v22  }
0x41: {  	v25 =	vld.idx.msk [tilespmem:v59+s11+$0x0], $0xffff  }
0x42: {  	s30 =	simm.s32 $0x10;
	v22 =	vadd.f32 v23, v22  }
0x43: {  	v21 =	vld.idx.msk [tilespmem:v21+s11+$0x0], $0xffff;
	v23 =	vmov s30  }
0x44: {  	v23 =	vmul.u32 $0x14, v23;
	v22 =	vadd.f32 v24, v22;
	_ =	sdelay $0x1  }
0x45: {  	v23 =	vbroadcast v23, $0x0;
	v22 =	vadd.f32 v25, v22;
	_ =	sdelay $0x1  }
0x46: {  	v24 =	vadd.s32 v1, v23;
	v21 =	vadd.f32 v21, v22  }
0x47: {  	v22 =	vadd.s32 v0, v23  }
0x48: {  	v21 =	vadd.f32 v21, v20  }
0x49: {  	s17 =	simm.s32 $0x8280;
	v25 =	vadd.s32 v2, v23  }
0x4a: {  	[tilespmem:s17+$0x0] =	vst v21  }
0x4b: {  	v21 =	vld.idx.msk [tilespmem:v24+s11+$0x0], $0xffff;
	v24 =	vadd.s32 v3, v23  }
0x4c: {  	v22 =	vld.idx.msk [tilespmem:v22+s11+$0x0], $0xffff  }
0x4d: {  	v26 =	vadd.s32 v4, v23  }
0x4e: {  	v25 =	vld.idx.msk [tilespmem:v25+s11+$0x0], $0xffff  }
0x4f: {  	v27 =	vadd.s32 v5, v23  }
0x50: {  	v24 =	vld.idx.msk [tilespmem:v24+s11+$0x0], $0xffff  }
0x51: {  	v60 =	vadd.s32 v6, v23;
	v21 =	vadd.f32 v21, v22  }
0x52: {  	v22 =	vld.idx.msk [tilespmem:v26+s11+$0x0], $0xffff  }
0x53: {  	v26 =	vadd.s32 v7, v23;
	v21 =	vadd.f32 v25, v21  }
0x54: {  	v25 =	vld.idx.msk [tilespmem:v27+s11+$0x0], $0xffff  }
0x55: {  	v27 =	vadd.s32 v8, v23;
	v21 =	vadd.f32 v24, v21  }
0x56: {  	v24 =	vld.idx.msk [tilespmem:v60+s11+$0x0], $0xffff  }
0x57: {  	v61 =	vadd.s32 v9, v23;
	v21 =	vadd.f32 v22, v21  }
0x58: {  	v22 =	vld.idx.msk [tilespmem:v26+s11+$0x0], $0xffff  }
0x59: {  	v26 =	vadd.s32 v10, v23;
	v21 =	vadd.f32 v25, v21  }
0x5a: {  	v25 =	vld.idx.msk [tilespmem:v27+s11+$0x0], $0xffff  }
0x5b: {  	v27 =	vadd.s32 v11, v23;
	v21 =	vadd.f32 v24, v21  }
0x5c: {  	v24 =	vld.idx.msk [tilespmem:v61+s11+$0x0], $0xffff  }
0x5d: {  	v62 =	vadd.s32 v12, v23;
	v21 =	vadd.f32 v22, v21  }
0x5e: {  	v22 =	vld.idx.msk [tilespmem:v26+s11+$0x0], $0xffff  }
0x5f: {  	v26 =	vadd.s32 v13, v23;
	v21 =	vadd.f32 v25, v21  }
0x60: {  	v25 =	vld.idx.msk [tilespmem:v27+s11+$0x0], $0xffff  }
0x61: {  	v27 =	vadd.s32 v14, v23;
	v21 =	vadd.f32 v24, v21  }
0x62: {  	v24 =	vld.idx.msk [tilespmem:v62+s11+$0x0], $0xffff  }
0x63: {  	v63 =	vadd.s32 v15, v23;
	v21 =	vadd.f32 v22, v21  }
0x64: {  	v22 =	vld.idx.msk [tilespmem:v26+s11+$0x0], $0xffff  }
0x65: {  	v26 =	vadd.s32 v16, v23;
	v21 =	vadd.f32 v25, v21  }
0x66: {  	v25 =	vld.idx.msk [tilespmem:v27+s11+$0x0], $0xffff  }
0x67: {  	v21 =	vadd.f32 v24, v21  }
0x68: {  	v27 =	vadd.s32 v17, v23;
	v24 =	vld.idx.msk [tilespmem:v63+s11+$0x0], $0xffff  }
0x69: {  	v21 =	vadd.f32 v22, v21  }
0x6a: {  	v22 =	vld.idx.msk [tilespmem:v26+s11+$0x0], $0xffff;
	v26 =	vadd.s32 v18, v23  }
0x6b: {  	v21 =	vadd.f32 v25, v21  }
0x6c: {  	v23 =	vadd.s32 v19, v23  }
0x6d: {  	v25 =	vld.idx.msk [tilespmem:v27+s11+$0x0], $0xffff;
	v21 =	vadd.f32 v24, v21;
	_ =	sdelay $0x1  }
0x6e: {  	v24 =	vadd.f32 v22, v21;
	v21 =	vld.idx.msk [tilespmem:v26+s11+$0x0], $0xffff  }
0x6f: {  	s31 =	simm.s32 $0x20  }
0x70: {  	v26 =	vmov s31;
	v22 =	vld.idx.msk [tilespmem:v23+s11+$0x0], $0xffff  }
0x71: {  	s18 =	simm.s32 $0x30;
	v23 =	vmul.u32 $0x14, v26;
	v24 =	vadd.f32 v25, v24  }
.LBB2_3:
0x72: {  	p0 =	sne.s32 s18, $0x330  }
0x73: {  	v23 =	vbroadcast v23, $0x0;
	v21 =	vadd.f32 v21, v24;
	_ =	sdelay $0x1  }
0x74: {  	v24 =	vadd.s32 v1, v23;
	v21 =	vadd.f32 v22, v21  }
0x75: {  	v22 =	vadd.s32 v0, v23  }
0x76: {  	v21 =	vadd.f32 v21, v20  }
0x77: {  	s17 =	sadd.s32 $0x10, s17;
	v25 =	vadd.s32 v2, v23  }
0x78: {  	[tilespmem:s17+$0x0] =	vst v21  }
0x79: {  	v21 =	vld.idx.msk [tilespmem:v24+s11+$0x0], $0xffff;
	v24 =	vadd.s32 v3, v23  }
0x7a: {  	v22 =	vld.idx.msk [tilespmem:v22+s11+$0x0], $0xffff  }
0x7b: {  	v26 =	vadd.s32 v4, v23  }
0x7c: {  	v25 =	vld.idx.msk [tilespmem:v25+s11+$0x0], $0xffff  }
0x7d: {  	v27 =	vadd.s32 v5, v23  }
0x7e: {  	v24 =	vld.idx.msk [tilespmem:v24+s11+$0x0], $0xffff  }
0x7f: {  	v28 =	vadd.s32 v6, v23  }
0x80: {  	v21 =	vadd.f32 v21, v22;
	v22 =	vld.idx.msk [tilespmem:v26+s11+$0x0], $0xffff  }
0x81: {  	v26 =	vadd.s32 v7, v23  }
0x82: {  	v21 =	vadd.f32 v25, v21;
	v25 =	vld.idx.msk [tilespmem:v27+s11+$0x0], $0xffff  }
0x83: {  	v27 =	vadd.s32 v8, v23  }
0x84: {  	v21 =	vadd.f32 v24, v21;
	v24 =	vld.idx.msk [tilespmem:v28+s11+$0x0], $0xffff  }
0x85: {  	v28 =	vadd.s32 v9, v23  }
0x86: {  	v21 =	vadd.f32 v22, v21;
	v22 =	vld.idx.msk [tilespmem:v26+s11+$0x0], $0xffff  }
0x87: {  	v26 =	vadd.s32 v10, v23  }
0x88: {  	v21 =	vadd.f32 v25, v21;
	v25 =	vld.idx.msk [tilespmem:v27+s11+$0x0], $0xffff  }
0x89: {  	v27 =	vadd.s32 v11, v23  }
0x8a: {  	v21 =	vadd.f32 v24, v21;
	v24 =	vld.idx.msk [tilespmem:v28+s11+$0x0], $0xffff  }
0x8b: {  	v28 =	vadd.s32 v12, v23  }
0x8c: {  	v21 =	vadd.f32 v22, v21;
	v22 =	vld.idx.msk [tilespmem:v26+s11+$0x0], $0xffff  }
0x8d: {  	v26 =	vadd.s32 v13, v23  }
0x8e: {  	v21 =	vadd.f32 v25, v21;
	v25 =	vld.idx.msk [tilespmem:v27+s11+$0x0], $0xffff  }
0x8f: {  	v27 =	vadd.s32 v14, v23  }
0x90: {  	v21 =	vadd.f32 v24, v21;
	v24 =	vld.idx.msk [tilespmem:v28+s11+$0x0], $0xffff  }
0x91: {  	v28 =	vadd.s32 v15, v23  }
0x92: {  	v21 =	vadd.f32 v22, v21;
	v22 =	vld.idx.msk [tilespmem:v26+s11+$0x0], $0xffff  }
0x93: {  	v26 =	vadd.s32 v16, v23  }
0x94: {  	v21 =	vadd.f32 v25, v21;
	v25 =	vld.idx.msk [tilespmem:v27+s11+$0x0], $0xffff  }
0x95: {  	v27 =	vadd.s32 v17, v23  }
0x96: {  	v21 =	vadd.f32 v24, v21;
	v24 =	vld.idx.msk [tilespmem:v28+s11+$0x0], $0xffff  }
0x97: {  	v28 =	vadd.s32 v18, v23  }
0x98: {  	v21 =	vadd.f32 v22, v21;
	v22 =	vld.idx.msk [tilespmem:v26+s11+$0x0], $0xffff  }
0x99: {  	v23 =	vadd.s32 v19, v23  }
0x9a: {  	v21 =	vadd.f32 v25, v21;
	v25 =	vld.idx.msk [tilespmem:v27+s11+$0x0], $0xffff;
	_ =	sdelay $0x1  }
.Ltmp0:
0x9b: {  	v24 =	vadd.f32 v24, v21;
	v21 =	vld.idx.msk [tilespmem:v28+s11+$0x0], $0xffff;
	(pc) =	sbr.rel @p0 .LBB2_3-.Ltmp0, $4  }
0x9c: {  	_ = 	snop  }
0x9d: {  	v24 =	vadd.f32 v22, v24;
	v22 =	vld.idx.msk [tilespmem:v23+s11+$0x0], $0xffff  }
0x9e: {  	v23 =	vmov s18  }
0x9f: {  	s18 =	sadd.s32 $0x10, s18;
	v23 =	vmul.u32 $0x14, v23;
	v24 =	vadd.f32 v25, v24  }
0xa0: {  	_ = 	snop  }
0xa1: {  	v23 =	vbroadcast v23, $0x0;
	v21 =	vadd.f32 v21, v24;
	_ =	sdelay $0x1  }
0xa2: {  	v40 =	vadd.s32 v1, v23;
	v21 =	vadd.f32 v22, v21  }
0xa3: {  	v22 =	vadd.s32 v0, v23  }
0xa4: {  	v21 =	vadd.f32 v21, v20  }
0xa5: {  	s17 =	sadd.s32 $0x10, s17;
	v25 =	vadd.s32 v2, v23  }
0xa6: {  	[tilespmem:s17+$0x0] =	vst v21  }
0xa7: {  	v41 =	vadd.s32 v3, v23;
	v21 =	vld.idx.msk [tilespmem:v40+s11+$0x0], $0xffff  }
0xa8: {  	v22 =	vld.idx.msk [tilespmem:v22+s11+$0x0], $0xffff  }
0xa9: {  	v26 =	vadd.s32 v4, v23  }
0xaa: {  	v25 =	vld.idx.msk [tilespmem:v25+s11+$0x0], $0xffff  }
0xab: {  	v27 =	vadd.s32 v5, v23  }
0xac: {  	v24 =	vld.idx.msk [tilespmem:v41+s11+$0x0], $0xffff  }
0xad: {  	v28 =	vadd.s32 v6, v23;
	v21 =	vadd.f32 v21, v22  }
0xae: {  	v22 =	vld.idx.msk [tilespmem:v26+s11+$0x0], $0xffff  }
0xaf: {  	v42 =	vadd.s32 v7, v23;
	v21 =	vadd.f32 v25, v21  }
0xb0: {  	v43 =	vld.idx.msk [tilespmem:v27+s11+$0x0], $0xffff  }
0xb1: {  	v44 =	vadd.s32 v8, v23;
	v21 =	vadd.f32 v24, v21  }
0xb2: {  	v45 =	vld.idx.msk [tilespmem:v28+s11+$0x0], $0xffff  }
0xb3: {  	v46 =	vadd.s32 v9, v23;
	v21 =	vadd.f32 v22, v21  }
0xb4: {  	v22 =	vld.idx.msk [tilespmem:v42+s11+$0x0], $0xffff  }
0xb5: {  	v47 =	vadd.s32 v10, v23;
	v21 =	vadd.f32 v43, v21  }
0xb6: {  	v48 =	vld.idx.msk [tilespmem:v44+s11+$0x0], $0xffff  }
0xb7: {  	v49 =	vadd.s32 v11, v23;
	v21 =	vadd.f32 v45, v21  }
0xb8: {  	v50 =	vld.idx.msk [tilespmem:v46+s11+$0x0], $0xffff  }
0xb9: {  	v51 =	vadd.s32 v12, v23;
	v21 =	vadd.f32 v22, v21  }
0xba: {  	v22 =	vld.idx.msk [tilespmem:v47+s11+$0x0], $0xffff  }
0xbb: {  	v52 =	vadd.s32 v13, v23;
	v21 =	vadd.f32 v48, v21  }
0xbc: {  	v53 =	vld.idx.msk [tilespmem:v49+s11+$0x0], $0xffff  }
0xbd: {  	v54 =	vadd.s32 v14, v23;
	v21 =	vadd.f32 v50, v21  }
0xbe: {  	v55 =	vld.idx.msk [tilespmem:v51+s11+$0x0], $0xffff  }
0xbf: {  	v56 =	vadd.s32 v15, v23;
	v21 =	vadd.f32 v22, v21  }
0xc0: {  	v22 =	vld.idx.msk [tilespmem:v52+s11+$0x0], $0xffff  }
0xc1: {  	v57 =	vadd.s32 v16, v23;
	v21 =	vadd.f32 v53, v21  }
0xc2: {  	v58 =	vld.idx.msk [tilespmem:v54+s11+$0x0], $0xffff  }
0xc3: {  	v59 =	vadd.s32 v17, v23;
	v21 =	vadd.f32 v55, v21  }
0xc4: {  	v60 =	vld.idx.msk [tilespmem:v56+s11+$0x0], $0xffff  }
0xc5: {  	v61 =	vadd.s32 v18, v23;
	v21 =	vadd.f32 v22, v21  }
0xc6: {  	v22 =	vld.idx.msk [tilespmem:v57+s11+$0x0], $0xffff  }
0xc7: {  	v23 =	vadd.s32 v19, v23;
	v21 =	vadd.f32 v58, v21  }
0xc8: {  	v62 =	vld.idx.msk [tilespmem:v59+s11+$0x0], $0xffff  }
0xc9: {  	v21 =	vadd.f32 v60, v21  }
0xca: {  	v63 =	vld.idx.msk [tilespmem:v61+s11+$0x0], $0xffff  }
0xcb: {  	v21 =	vadd.f32 v22, v21  }
0xcc: {  	v22 =	vld.idx.msk [tilespmem:v23+s11+$0x0], $0xffff  }
0xcd: {  	v21 =	vadd.f32 v62, v21;
	_ =	sdelay $0x1  }
0xce: {  	v21 =	vadd.f32 v63, v21;
	_ =	sdelay $0x1  }
0xcf: {  	v21 =	vadd.f32 v22, v21;
	_ =	sdelay $0x1  }
0xd0: {  	s15 =	sadd.s32 $0x1, s15;
	v21 =	vadd.f32 v21, v20  }
0xd1: {  	s16 =	sshrl.u32 s16, $0x3;
	p0 =	sne.s32 s15, $0x4;
	s17 =	sadd.s32 $0x10, s17  }
.Ltmp1:
0xd2: {  	s16 =	sadd.s32 s1, s16;
	[tilespmem:s17+$0x0] =	vst v21;
	(pc) =	sbr.rel @p0 .LBB2_2-.Ltmp1, $4  }
0xd3: {  	[hbm4b:s16+s2] =	stream.linear.scatter [tilespmem:s13], [sflag:$0x2], $0x340, $0x38;
	[tilespmem:$0x8600] =	vst v63  }
0xd4: {  	_ =	swait.ge [sflag:s10], $0x340  }
0xd5: {  	[sflag:s10] =	ssyncset.done $0x0  }
0xd6: {  	[sflag:s10] =	ssyncadd.s32 $0xFFFFFCC0  }
0xd7: {  	s14 =	sadd.s32 $0x1, s14  }
0xd8: {  	p0 =	sne.s32 s14, s8  }
.Ltmp2:
0xd9: {  	_ = 	snop;
	(pc) =	sbr.rel @p0 .LBB2_1-.Ltmp2, $1  }
0xda: {  	_ =	sdelay $0x3  }
0xdb: {  	_ =	sfence.sel $0x180000  }
0xdc: {  	[bflag:$0x0] =	sbarrier.arrive $0xFFFF  }
0xdd: {  	p0 =	sne.s32 s3, $0x0;
	_ =	strace $0x90000047  }
0xde: {  	s0 =	sadd.s32 @!p0 $0x100000, s0;
	[bflag:$0x2] =	sbarrier.arrive $0xFFFF  }
0xdf: {  	[sflag:s0] =	ssyncadd.tile.s32 @!p0 $0x1;
	_ =	shalt  }
.Lfunc_end2:
_tile_overlayer_lowered:
.L_overlay_start_2:
0xe0: {  	(tag) =	ssettag $0x2  }
0xe1: {  	s0 =	rddreg [dreg:$0x0];
	s2 =	stileid.u32  }
0xe2: {  	s1 =	rddreg [dreg:$0x1];
	p0 =	sne.s32 s2, $0x0  }
0xe3: {  	s3 =	rddreg [dreg:$0x2];
	[bflag:$0x3] =	sbarrier.arrive $0xFFFF;
	s2 =	simm.s32 @!p0 $0x1C02  }
0xe4: {  	[timem:s3], [sflag:s2] =	dma.local @!p0 [hbm:s0], s1  }
0xe5: {  	s0 =	simm.s32 @!p0 $0x2  }
0xe6: {  	_ =	swait.ge @!p0 [sflag:s0], s1  }
0xe7: {  	s1 =	ssub.s32 @!p0 $0x0, s1;
	[sflag:s0] =	ssyncset.done @!p0 $0x0  }
0xe8: {  	[sflag:s0] =	ssyncadd.s32 @!p0 s1  }
0xe9: {  	[bflag:$0x3] =	sbarrier.arrive $0xFFFF  }
0xea: {  	_ =	shalt  }

</sc_bundles>
